<compile_context>
chip_gen: v7x
topology: tpu7x:2x2x1
jax: 0.10.2.dev20260603
libtpu: 0.0.44.dev20260713+nightly
codegen_flags: <defaults>
</compile_context>

<pallas_src>
import functools

import jax
import jax.numpy as jnp
from jax import lax
from jax.experimental import pallas as pl
from jax.experimental.pallas import tpu as pltpu
from jax.experimental.pallas import tpu_sc as plsc

B = 16384
DIM = 64
NENT = 1000001
FLAT = 3 * B
NW = 32
ROWS_W = FLAT // NW
CH = 128
NCH = ROWS_W // CH
BE = 2048
GT = 245
H = GT * BE


def _tc_fold_table(ent_t):
    def body(xl_ref, xh_ref, o_ref):
        o_ref[...] = jnp.concatenate([xl_ref[...].T, xh_ref[...].T], axis=1)

    return pl.pallas_call(
        body,
        grid=(GT,),
        in_specs=[
            pl.BlockSpec((DIM, BE), lambda i: (0, i)),
            pl.BlockSpec((DIM, BE),
                         lambda i: (0, jnp.minimum(i + GT, (NENT - 1) // BE))),
        ],
        out_specs=pl.BlockSpec((BE, 2 * DIM), lambda i: (i, 0)),
        out_shape=jax.ShapeDtypeStruct((H, 2 * DIM), jnp.float32),
    )(ent_t, ent_t)


def _sc_gather(ent_fold, rel_emb, sub_i, obj_i, rel_i):
    mesh = plsc.VectorSubcoreMesh(core_axis_name="c", subcore_axis_name="s")

    @functools.partial(
        pl.kernel,
        mesh=mesh,
        out_type=[
            jax.ShapeDtypeStruct((FLAT, 2 * DIM), jnp.float32),
            jax.ShapeDtypeStruct((FLAT, 2 * DIM), jnp.float32),
            jax.ShapeDtypeStruct((FLAT, DIM), jnp.float32),
        ],
        scratch_types=[
            pltpu.VMEM((NCH, CH), jnp.int32),
            pltpu.VMEM((NCH, CH), jnp.int32),
            pltpu.VMEM((NCH, CH), jnp.int32),
            pltpu.VMEM((CH, 2 * DIM), jnp.float32),
            pltpu.VMEM((CH, 2 * DIM), jnp.float32),
            pltpu.VMEM((CH, DIM), jnp.float32),
            pltpu.SemaphoreType.DMA,
            pltpu.SemaphoreType.DMA,
            pltpu.SemaphoreType.DMA,
        ],
        compiler_params=pltpu.CompilerParams(use_tc_tiling_on_sc=False),
    )
    def k(ent_hbm, rel_hbm, sub_hbm, obj_hbm, reli_hbm,
          outs_hbm, outo_hbm, outr_hbm,
          idx_s, idx_o, idx_r, buf_s, buf_o, buf_r, sem_s, sem_o, sem_r):
        wid = lax.axis_index("s") * 2 + lax.axis_index("c")
        blk0 = wid * NCH
        pltpu.sync_copy(sub_hbm.at[wid], idx_s)
        pltpu.sync_copy(obj_hbm.at[wid], idx_o)
        pltpu.sync_copy(reli_hbm.at[wid], idx_r)

        def chunk(j, carry):
            cs = pltpu.async_copy(ent_hbm.at[idx_s.at[j]], buf_s, sem_s)
            co = pltpu.async_copy(ent_hbm.at[idx_o.at[j]], buf_o, sem_o)
            cr = pltpu.async_copy(rel_hbm.at[idx_r.at[j]], buf_r, sem_r)
            rows = pl.ds((blk0 + j) * CH, CH)
            cs.wait()
            pltpu.sync_copy(buf_s, outs_hbm.at[rows])
            co.wait()
            pltpu.sync_copy(buf_o, outo_hbm.at[rows])
            cr.wait()
            pltpu.sync_copy(buf_r, outr_hbm.at[rows])
            return carry
        lax.fori_loop(0, NCH, chunk, 0)

    return k(ent_fold, rel_emb, sub_i, obj_i, rel_i)


def _tc_score(s128, o128, r64, ps, po, Wdup, Wt, b2):
    BLK = 2048
    NB = B // BLK

    def body(s0, s1, s2, o0, o1, o2, r0, r1, r2, ps_ref, po_ref,
             wd_ref, wt_ref, b_ref, out_ref):
        halfbit = (lax.broadcasted_iota(jnp.int32, (BLK, 2 * DIM), 1)
                   >> 6) & 1
        y = jnp.broadcast_to(b_ref[...], (BLK, DIM))
        for k, (s_ref, o_ref, r_ref) in enumerate(
                ((s0, o0, r0), (s1, o1, r1), (s2, o2, r2))):
            m_s = (jnp.broadcast_to(ps_ref[:, k:k + 1], (BLK, 2 * DIM))
                   == halfbit).astype(jnp.float32)
            m_o = (jnp.broadcast_to(po_ref[:, k:k + 1], (BLK, 2 * DIM))
                   == halfbit).astype(jnp.float32)
            h = s_ref[...] * m_s - o_ref[...] * m_o
            y = y + lax.dot_general(
                h, wd_ref[2 * DIM * k:2 * DIM * (k + 1), :],
                (((1,), (0,)), ((), ())),
                preferred_element_type=jnp.float32)
            y = y + lax.dot_general(
                r_ref[...], wt_ref[DIM * k:DIM * (k + 1), :],
                (((1,), (0,)), ((), ())),
                preferred_element_type=jnp.float32)
        out_ref[...] = jnp.sum(y * y, axis=1, keepdims=True)

    def slot_spec(width, k):
        return pl.BlockSpec((BLK, width), lambda i, _k=k: (_k * NB + i, 0))

    return pl.pallas_call(
        body,
        grid=(NB,),
        in_specs=[
            slot_spec(2 * DIM, 0), slot_spec(2 * DIM, 1),
            slot_spec(2 * DIM, 2),
            slot_spec(2 * DIM, 0), slot_spec(2 * DIM, 1),
            slot_spec(2 * DIM, 2),
            slot_spec(DIM, 0), slot_spec(DIM, 1), slot_spec(DIM, 2),
            pl.BlockSpec((BLK, 3), lambda i: (i, 0)),
            pl.BlockSpec((BLK, 3), lambda i: (i, 0)),
            pl.BlockSpec((6 * DIM, DIM), lambda i: (0, 0)),
            pl.BlockSpec((3 * DIM, DIM), lambda i: (0, 0)),
            pl.BlockSpec((1, DIM), lambda i: (0, 0)),
        ],
        out_specs=pl.BlockSpec((BLK, 1), lambda i: (i, 0)),
        out_shape=jax.ShapeDtypeStruct((B, 1), jnp.float32),
    )(s128, s128, s128, o128, o128, o128, r64, r64, r64,
      ps, po, Wdup, Wt, b2)


def kernel(subjects, objects, relations, ent_emb, rel_emb, W, b):
    ent_fold = _tc_fold_table(jnp.transpose(ent_emb))
    srow = jnp.where(subjects < H, subjects, subjects - H)
    orow = jnp.where(objects < H, objects, objects - H)
    ps = (subjects >= H).astype(jnp.int32)
    po = (objects >= H).astype(jnp.int32)
    s128, o128, r64 = _sc_gather(
        ent_fold, rel_emb,
        srow.T.reshape(NW, NCH, CH), orow.T.reshape(NW, NCH, CH),
        relations.T.reshape(NW, NCH, CH))
    Wt = W.T
    Wdup = jnp.concatenate(
        [Wt[k * DIM:(k + 1) * DIM] for k in range(3) for _ in range(2)],
        axis=0)
    return _tc_score(s128, o128, r64, ps, po, Wdup, Wt, b.reshape(1, DIM))

# --- scband reference (transcript-rebuilt; emitter-appended) ---
"""Pipeline reference for scband-trans-e-44332652429714 (READ-ONLY COPY).

The authoritative reference and input builder live on the scoring server;
editing this copy changes nothing except your own understanding.
"""

import jax, jax.numpy as jnp
import numpy as np

B = 16384
DIM = 64
NUM_ENT = 1000000
NUM_REL = 1000

def setup_inputs(seed: int = 0) -> dict:
    key = jax.random.key(seed)
    ks = jax.random.split(key, 7)
    subjects = jax.random.randint(ks[0], (B, 3), 0, NUM_ENT, dtype=jnp.int32)
    objects = jax.random.randint(ks[1], (B, 3), 0, NUM_ENT, dtype=jnp.int32)
    relations = jax.random.randint(ks[2], (B, 3), 0, NUM_REL, dtype=jnp.int32)
    # embedding init: uniform(-r, r), r = 6/sqrt(dim). (The torch renorm call is
    # non-in-place and its result is discarded, so no renorm is actually applied.)
    r = 6.0 / np.sqrt(DIM)
    ent_emb = jax.random.uniform(ks[3], (NUM_ENT + 1, DIM), minval=-r, maxval=r, dtype=jnp.float32)
    rel_emb = jax.random.uniform(ks[4], (NUM_REL + 1, DIM), minval=-r, maxval=r, dtype=jnp.float32)
    # nn.Linear(3*DIM, DIM) default init: U(-1/sqrt(fan_in), 1/sqrt(fan_in))
    lim = 1.0 / np.sqrt(3 * DIM)
    W = jax.random.uniform(ks[5], (DIM, 3 * DIM), minval=-lim, maxval=lim, dtype=jnp.float32)
    b = jax.random.uniform(ks[6], (DIM,), minval=-lim, maxval=lim, dtype=jnp.float32)
    return {"subjects": subjects, "objects": objects, "relations": relations,
            "ent_emb": ent_emb, "rel_emb": rel_emb, "W": W, "b": b}

def reference(subjects, objects, relations, ent_emb, rel_emb, W, b):
    # embedding lookups: [B, 3] -> [B, 3, DIM]; squeeze(1) is a no-op on [B,3,DIM]
    sub = jnp.take(ent_emb, subjects, axis=0)
    obj = jnp.take(ent_emb, objects, axis=0)
    rel = jnp.take(rel_emb, relations, axis=0)
    # flatten(1) -> [B, 3*DIM]; linear -> [B, DIM]
    sub = sub.reshape(sub.shape[0], -1) @ W.T + b
    obj = obj.reshape(obj.shape[0], -1) @ W.T + b
    rel = rel.reshape(rel.shape[0], -1) @ W.T + b
    score = jnp.sum((sub + rel - obj) ** 2, axis=-1)
    return score.reshape(-1, 1)

if __name__ == "__main__":
    import jax
    _d = setup_inputs()
    print(jax.jit(kernel)(*tuple(_d.values())))

</pallas_src>

<mosaic_0001>
#map = affine_map<(d0, d1) -> (0, 0)>
#map1 = affine_map<(d0, d1) -> (0, 0, 0)>
module attributes {stable_mosaic.version = 14 : i64} {
  func.func @k(%arg0: i32, %arg1: i32, %arg2: memref<501760x128xf32, #tpu.memory_space<hbm>>, %arg3: memref<1001x64xf32, #tpu.memory_space<hbm>>, %arg4: memref<32x12x128xi32, #tpu.memory_space<hbm>>, %arg5: memref<32x12x128xi32, #tpu.memory_space<hbm>>, %arg6: memref<32x12x128xi32, #tpu.memory_space<hbm>>, %arg7: memref<49152x128xf32, #tpu.memory_space<hbm>>, %arg8: memref<49152x128xf32, #tpu.memory_space<hbm>>, %arg9: memref<49152x64xf32, #tpu.memory_space<hbm>>, %arg10: memref<12x128xi32, #tpu.memory_space<vmem>>, %arg11: memref<12x128xi32, #tpu.memory_space<vmem>>, %arg12: memref<12x128xi32, #tpu.memory_space<vmem>>, %arg13: memref<128x128xf32, #tpu.memory_space<vmem>>, %arg14: memref<128x128xf32, #tpu.memory_space<vmem>>, %arg15: memref<128x64xf32, #tpu.memory_space<vmem>>, %arg16: memref<!tpu.dma_semaphore, #tpu.memory_space<semaphore_mem>>, %arg17: memref<!tpu.dma_semaphore, #tpu.memory_space<semaphore_mem>>, %arg18: memref<!tpu.dma_semaphore, #tpu.memory_space<semaphore_mem>>) attributes {dimension_semantics = [#tpu.dimension_semantics<core_parallel>, #tpu.dimension_semantics<subcore_parallel>], iteration_bounds = array<i64: 2, 16>, scalar_prefetch = 0 : i64, scratch_operands = 9 : i64, tpu.core_type = #tpu.core_type<sc_vector_subcore>, window_params = [{transform_indices = #map}, {transform_indices = #map}, {transform_indices = #map1}, {transform_indices = #map1}, {transform_indices = #map1}, {transform_indices = #map}, {transform_indices = #map}, {transform_indices = #map}]} {
    %mul3A = arith.constant 2 : i32
    %mul3A_0 = arith.muli %arg1, %mul3A : i32
    %add3A = arith.addi %mul3A_0, %arg0 : i32
    %mul3A_1 = arith.constant 12 : i32
    %mul3A_2 = arith.muli %add3A, %mul3A_1 : i32
    "tpu.region"() ({
      %run_scoped3A = tpu.sem_alloc : memref<!tpu.dma_semaphore, #tpu.memory_space<semaphore_mem>>
      %dma_start3A = arith.constant 0 : i32
      %dma_start3A_8 = arith.constant 0 : i32
      %dma_start3A_9 = tpu.memref_slice %arg4[%add3A, %dma_start3A, %dma_start3A_8] : memref<32x12x128xi32, #tpu.memory_space<hbm>> -> memref<1x12x128xi32, #tpu.memory_space<hbm>>
      %dma_start3A_10 = tpu.memref_squeeze %dma_start3A_9 : memref<1x12x128xi32, #tpu.memory_space<hbm>> -> memref<12x128xi32, #tpu.memory_space<hbm>>
      %dma_start3A_11 = arith.constant 0 : i32
      %dma_start3A_12 = arith.constant 0 : i32
      %dma_start3A_13 = tpu.memref_slice %arg4[%add3A, %dma_start3A_11, %dma_start3A_12] : memref<32x12x128xi32, #tpu.memory_space<hbm>> -> memref<1x12x128xi32, #tpu.memory_space<hbm>>
      %dma_start3A_14 = tpu.memref_squeeze %dma_start3A_13 : memref<1x12x128xi32, #tpu.memory_space<hbm>> -> memref<12x128xi32, #tpu.memory_space<hbm>>
      tpu.enqueue_dma source(%dma_start3A_14 : memref<12x128xi32, #tpu.memory_space<hbm>>) target(%arg10 : memref<12x128xi32, #tpu.memory_space<vmem>>) target_semaphore(%run_scoped3A : memref<!tpu.dma_semaphore, #tpu.memory_space<semaphore_mem>>)
      %dma_wait3A = arith.constant 0 : i32
      %dma_wait3A_15 = arith.constant 0 : i32
      %dma_wait3A_16 = tpu.memref_slice %arg4[%add3A, %dma_wait3A, %dma_wait3A_15] : memref<32x12x128xi32, #tpu.memory_space<hbm>> -> memref<1x12x128xi32, #tpu.memory_space<hbm>>
      %dma_wait3A_17 = tpu.memref_squeeze %dma_wait3A_16 : memref<1x12x128xi32, #tpu.memory_space<hbm>> -> memref<12x128xi32, #tpu.memory_space<hbm>>
      %dma_wait3A_18 = arith.constant 0 : i32
      %dma_wait3A_19 = arith.constant 0 : i32
      %dma_wait3A_20 = tpu.memref_slice %arg4[%add3A, %dma_wait3A_18, %dma_wait3A_19] : memref<32x12x128xi32, #tpu.memory_space<hbm>> -> memref<1x12x128xi32, #tpu.memory_space<hbm>>
      %dma_wait3A_21 = tpu.memref_squeeze %dma_wait3A_20 : memref<1x12x128xi32, #tpu.memory_space<hbm>> -> memref<12x128xi32, #tpu.memory_space<hbm>>
      tpu.wait_dma2 semaphore(%run_scoped3A : memref<!tpu.dma_semaphore, #tpu.memory_space<semaphore_mem>>) src(%dma_wait3A_21 : memref<12x128xi32, #tpu.memory_space<hbm>>) dst(%arg10 : memref<12x128xi32, #tpu.memory_space<vmem>>)
      tpu.yield
    }) : () -> ()
    "tpu.region"() ({
      %run_scoped3A = tpu.sem_alloc : memref<!tpu.dma_semaphore, #tpu.memory_space<semaphore_mem>>
      %dma_start3A = arith.constant 0 : i32
      %dma_start3A_8 = arith.constant 0 : i32
      %dma_start3A_9 = tpu.memref_slice %arg5[%add3A, %dma_start3A, %dma_start3A_8] : memref<32x12x128xi32, #tpu.memory_space<hbm>> -> memref<1x12x128xi32, #tpu.memory_space<hbm>>
      %dma_start3A_10 = tpu.memref_squeeze %dma_start3A_9 : memref<1x12x128xi32, #tpu.memory_space<hbm>> -> memref<12x128xi32, #tpu.memory_space<hbm>>
      %dma_start3A_11 = arith.constant 0 : i32
      %dma_start3A_12 = arith.constant 0 : i32
      %dma_start3A_13 = tpu.memref_slice %arg5[%add3A, %dma_start3A_11, %dma_start3A_12] : memref<32x12x128xi32, #tpu.memory_space<hbm>> -> memref<1x12x128xi32, #tpu.memory_space<hbm>>
      %dma_start3A_14 = tpu.memref_squeeze %dma_start3A_13 : memref<1x12x128xi32, #tpu.memory_space<hbm>> -> memref<12x128xi32, #tpu.memory_space<hbm>>
      tpu.enqueue_dma source(%dma_start3A_14 : memref<12x128xi32, #tpu.memory_space<hbm>>) target(%arg11 : memref<12x128xi32, #tpu.memory_space<vmem>>) target_semaphore(%run_scoped3A : memref<!tpu.dma_semaphore, #tpu.memory_space<semaphore_mem>>)
      %dma_wait3A = arith.constant 0 : i32
      %dma_wait3A_15 = arith.constant 0 : i32
      %dma_wait3A_16 = tpu.memref_slice %arg5[%add3A, %dma_wait3A, %dma_wait3A_15] : memref<32x12x128xi32, #tpu.memory_space<hbm>> -> memref<1x12x128xi32, #tpu.memory_space<hbm>>
      %dma_wait3A_17 = tpu.memref_squeeze %dma_wait3A_16 : memref<1x12x128xi32, #tpu.memory_space<hbm>> -> memref<12x128xi32, #tpu.memory_space<hbm>>
      %dma_wait3A_18 = arith.constant 0 : i32
      %dma_wait3A_19 = arith.constant 0 : i32
      %dma_wait3A_20 = tpu.memref_slice %arg5[%add3A, %dma_wait3A_18, %dma_wait3A_19] : memref<32x12x128xi32, #tpu.memory_space<hbm>> -> memref<1x12x128xi32, #tpu.memory_space<hbm>>
      %dma_wait3A_21 = tpu.memref_squeeze %dma_wait3A_20 : memref<1x12x128xi32, #tpu.memory_space<hbm>> -> memref<12x128xi32, #tpu.memory_space<hbm>>
      tpu.wait_dma2 semaphore(%run_scoped3A : memref<!tpu.dma_semaphore, #tpu.memory_space<semaphore_mem>>) src(%dma_wait3A_21 : memref<12x128xi32, #tpu.memory_space<hbm>>) dst(%arg11 : memref<12x128xi32, #tpu.memory_space<vmem>>)
      tpu.yield
    }) : () -> ()
    "tpu.region"() ({
      %run_scoped3A = tpu.sem_alloc : memref<!tpu.dma_semaphore, #tpu.memory_space<semaphore_mem>>
      %dma_start3A = arith.constant 0 : i32
      %dma_start3A_8 = arith.constant 0 : i32
      %dma_start3A_9 = tpu.memref_slice %arg6[%add3A, %dma_start3A, %dma_start3A_8] : memref<32x12x128xi32, #tpu.memory_space<hbm>> -> memref<1x12x128xi32, #tpu.memory_space<hbm>>
      %dma_start3A_10 = tpu.memref_squeeze %dma_start3A_9 : memref<1x12x128xi32, #tpu.memory_space<hbm>> -> memref<12x128xi32, #tpu.memory_space<hbm>>
      %dma_start3A_11 = arith.constant 0 : i32
      %dma_start3A_12 = arith.constant 0 : i32
      %dma_start3A_13 = tpu.memref_slice %arg6[%add3A, %dma_start3A_11, %dma_start3A_12] : memref<32x12x128xi32, #tpu.memory_space<hbm>> -> memref<1x12x128xi32, #tpu.memory_space<hbm>>
      %dma_start3A_14 = tpu.memref_squeeze %dma_start3A_13 : memref<1x12x128xi32, #tpu.memory_space<hbm>> -> memref<12x128xi32, #tpu.memory_space<hbm>>
      tpu.enqueue_dma source(%dma_start3A_14 : memref<12x128xi32, #tpu.memory_space<hbm>>) target(%arg12 : memref<12x128xi32, #tpu.memory_space<vmem>>) target_semaphore(%run_scoped3A : memref<!tpu.dma_semaphore, #tpu.memory_space<semaphore_mem>>)
      %dma_wait3A = arith.constant 0 : i32
      %dma_wait3A_15 = arith.constant 0 : i32
      %dma_wait3A_16 = tpu.memref_slice %arg6[%add3A, %dma_wait3A, %dma_wait3A_15] : memref<32x12x128xi32, #tpu.memory_space<hbm>> -> memref<1x12x128xi32, #tpu.memory_space<hbm>>
      %dma_wait3A_17 = tpu.memref_squeeze %dma_wait3A_16 : memref<1x12x128xi32, #tpu.memory_space<hbm>> -> memref<12x128xi32, #tpu.memory_space<hbm>>
      %dma_wait3A_18 = arith.constant 0 : i32
      %dma_wait3A_19 = arith.constant 0 : i32
      %dma_wait3A_20 = tpu.memref_slice %arg6[%add3A, %dma_wait3A_18, %dma_wait3A_19] : memref<32x12x128xi32, #tpu.memory_space<hbm>> -> memref<1x12x128xi32, #tpu.memory_space<hbm>>
      %dma_wait3A_21 = tpu.memref_squeeze %dma_wait3A_20 : memref<1x12x128xi32, #tpu.memory_space<hbm>> -> memref<12x128xi32, #tpu.memory_space<hbm>>
      tpu.wait_dma2 semaphore(%run_scoped3A : memref<!tpu.dma_semaphore, #tpu.memory_space<semaphore_mem>>) src(%dma_wait3A_21 : memref<12x128xi32, #tpu.memory_space<hbm>>) dst(%arg12 : memref<12x128xi32, #tpu.memory_space<vmem>>)
      tpu.yield
    }) : () -> ()
    %scan3A = arith.constant 0 : i32
    %scan3A_3 = arith.constant 0 : i32
    %scan3A_4 = arith.constant 12 : i32
    %scan3A_5 = arith.addi %scan3A_3, %scan3A_4 : i32
    %scan3A_6 = arith.constant 1 : i32
    scf.for %scan3A_8 = %scan3A_3 to %scan3A_5 step %scan3A_6  : i32 {
      %dma_start3A = arith.constant 0 : i32
      %dma_start3A_9 = tpu.memref_slice %arg10[%scan3A_8, %dma_start3A] : memref<12x128xi32, #tpu.memory_space<vmem>> -> memref<1x128xi32, #tpu.memory_space<vmem>>
      %dma_start3A_10 = tpu.memref_squeeze %dma_start3A_9 : memref<1x128xi32, #tpu.memory_space<vmem>> -> memref<128xi32, #tpu.memory_space<vmem>>
      %dma_start3A_11 = arith.constant 0 : i32
      %dma_start3A_12 = arith.constant 0 : i32
      %dma_start3A_13 = tpu.memref_slice %arg2[%dma_start3A_11, %dma_start3A_12] : memref<501760x128xf32, #tpu.memory_space<hbm>> -> memref<501760x128xf32, #tpu.memory_space<hbm>>
      tpu.enqueue_indirect_dma source(%dma_start3A_13 : memref<501760x128xf32, #tpu.memory_space<hbm>>) target(%arg13 : memref<128x128xf32, #tpu.memory_space<vmem>>) offsets(%dma_start3A_10 : memref<128xi32, #tpu.memory_space<vmem>>) semaphore(%arg16 : memref<!tpu.dma_semaphore, #tpu.memory_space<semaphore_mem>>)
      %dma_start3A_14 = arith.constant 0 : i32
      %dma_start3A_15 = tpu.memref_slice %arg11[%scan3A_8, %dma_start3A_14] : memref<12x128xi32, #tpu.memory_space<vmem>> -> memref<1x128xi32, #tpu.memory_space<vmem>>
      %dma_start3A_16 = tpu.memref_squeeze %dma_start3A_15 : memref<1x128xi32, #tpu.memory_space<vmem>> -> memref<128xi32, #tpu.memory_space<vmem>>
      %dma_start3A_17 = arith.constant 0 : i32
      %dma_start3A_18 = arith.constant 0 : i32
      %dma_start3A_19 = tpu.memref_slice %arg2[%dma_start3A_17, %dma_start3A_18] : memref<501760x128xf32, #tpu.memory_space<hbm>> -> memref<501760x128xf32, #tpu.memory_space<hbm>>
      tpu.enqueue_indirect_dma source(%dma_start3A_19 : memref<501760x128xf32, #tpu.memory_space<hbm>>) target(%arg14 : memref<128x128xf32, #tpu.memory_space<vmem>>) offsets(%dma_start3A_16 : memref<128xi32, #tpu.memory_space<vmem>>) semaphore(%arg17 : memref<!tpu.dma_semaphore, #tpu.memory_space<semaphore_mem>>)
      %dma_start3A_20 = arith.constant 0 : i32
      %dma_start3A_21 = tpu.memref_slice %arg12[%scan3A_8, %dma_start3A_20] : memref<12x128xi32, #tpu.memory_space<vmem>> -> memref<1x128xi32, #tpu.memory_space<vmem>>
      %dma_start3A_22 = tpu.memref_squeeze %dma_start3A_21 : memref<1x128xi32, #tpu.memory_space<vmem>> -> memref<128xi32, #tpu.memory_space<vmem>>
      %dma_start3A_23 = arith.constant 0 : i32
      %dma_start3A_24 = arith.constant 0 : i32
      %dma_start3A_25 = tpu.memref_slice %arg3[%dma_start3A_23, %dma_start3A_24] : memref<1001x64xf32, #tpu.memory_space<hbm>> -> memref<1001x64xf32, #tpu.memory_space<hbm>>
      tpu.enqueue_indirect_dma source(%dma_start3A_25 : memref<1001x64xf32, #tpu.memory_space<hbm>>) target(%arg15 : memref<128x64xf32, #tpu.memory_space<vmem>>) offsets(%dma_start3A_22 : memref<128xi32, #tpu.memory_space<vmem>>) semaphore(%arg18 : memref<!tpu.dma_semaphore, #tpu.memory_space<semaphore_mem>>)
      %add3A_26 = arith.addi %mul3A_2, %scan3A_8 : i32
      %mul3A_27 = arith.constant 128 : i32
      %mul3A_28 = arith.muli %add3A_26, %mul3A_27 : i32
      %dma_wait3A = arith.constant 0 : i32
      %dma_wait3A_29 = tpu.memref_slice %arg10[%scan3A_8, %dma_wait3A] : memref<12x128xi32, #tpu.memory_space<vmem>> -> memref<1x128xi32, #tpu.memory_space<vmem>>
      %dma_wait3A_30 = tpu.memref_squeeze %dma_wait3A_29 : memref<1x128xi32, #tpu.memory_space<vmem>> -> memref<128xi32, #tpu.memory_space<vmem>>
      %dma_wait3A_31 = arith.constant 0 : i32
      %dma_wait3A_32 = arith.constant 0 : i32
      %dma_wait3A_33 = tpu.memref_slice %arg2[%dma_wait3A_31, %dma_wait3A_32] : memref<501760x128xf32, #tpu.memory_space<hbm>> -> memref<501760x128xf32, #tpu.memory_space<hbm>>
      tpu.wait_indirect_dma semaphore(%arg16 : memref<!tpu.dma_semaphore, #tpu.memory_space<semaphore_mem>>) src(%dma_wait3A_33 : memref<501760x128xf32, #tpu.memory_space<hbm>>) dst(%arg13 : memref<128x128xf32, #tpu.memory_space<vmem>>)
      "tpu.region"() ({
        %run_scoped3A = tpu.sem_alloc : memref<!tpu.dma_semaphore, #tpu.memory_space<semaphore_mem>>
        %dma_start3A_46 = arith.constant 0 : i32
        %dma_start3A_47 = tpu.memref_slice %arg7[%mul3A_28, %dma_start3A_46] : memref<49152x128xf32, #tpu.memory_space<hbm>> -> memref<128x128xf32, #tpu.memory_space<hbm>>
        %dma_start3A_48 = arith.constant 0 : i32
        %dma_start3A_49 = tpu.memref_slice %arg7[%mul3A_28, %dma_start3A_48] : memref<49152x128xf32, #tpu.memory_space<hbm>> -> memref<128x128xf32, #tpu.memory_space<hbm>>
        tpu.enqueue_dma source(%arg13 : memref<128x128xf32, #tpu.memory_space<vmem>>) target(%dma_start3A_49 : memref<128x128xf32, #tpu.memory_space<hbm>>) target_semaphore(%run_scoped3A : memref<!tpu.dma_semaphore, #tpu.memory_space<semaphore_mem>>)
        %dma_wait3A_50 = arith.constant 0 : i32
        %dma_wait3A_51 = tpu.memref_slice %arg7[%mul3A_28, %dma_wait3A_50] : memref<49152x128xf32, #tpu.memory_space<hbm>> -> memref<128x128xf32, #tpu.memory_space<hbm>>
        %dma_wait3A_52 = arith.constant 0 : i32
        %dma_wait3A_53 = tpu.memref_slice %arg7[%mul3A_28, %dma_wait3A_52] : memref<49152x128xf32, #tpu.memory_space<hbm>> -> memref<128x128xf32, #tpu.memory_space<hbm>>
        tpu.wait_dma2 semaphore(%run_scoped3A : memref<!tpu.dma_semaphore, #tpu.memory_space<semaphore_mem>>) src(%arg13 : memref<128x128xf32, #tpu.memory_space<vmem>>) dst(%dma_wait3A_53 : memref<128x128xf32, #tpu.memory_space<hbm>>)
        tpu.yield
      }) : () -> ()
      %dma_wait3A_34 = arith.constant 0 : i32
      %dma_wait3A_35 = tpu.memref_slice %arg11[%scan3A_8, %dma_wait3A_34] : memref<12x128xi32, #tpu.memory_space<vmem>> -> memref<1x128xi32, #tpu.memory_space<vmem>>
      %dma_wait3A_36 = tpu.memref_squeeze %dma_wait3A_35 : memref<1x128xi32, #tpu.memory_space<vmem>> -> memref<128xi32, #tpu.memory_space<vmem>>
      %dma_wait3A_37 = arith.constant 0 : i32
      %dma_wait3A_38 = arith.constant 0 : i32
      %dma_wait3A_39 = tpu.memref_slice %arg2[%dma_wait3A_37, %dma_wait3A_38] : memref<501760x128xf32, #tpu.memory_space<hbm>> -> memref<501760x128xf32, #tpu.memory_space<hbm>>
      tpu.wait_indirect_dma semaphore(%arg17 : memref<!tpu.dma_semaphore, #tpu.memory_space<semaphore_mem>>) src(%dma_wait3A_39 : memref<501760x128xf32, #tpu.memory_space<hbm>>) dst(%arg14 : memref<128x128xf32, #tpu.memory_space<vmem>>)
      "tpu.region"() ({
        %run_scoped3A = tpu.sem_alloc : memref<!tpu.dma_semaphore, #tpu.memory_space<semaphore_mem>>
        %dma_start3A_46 = arith.constant 0 : i32
        %dma_start3A_47 = tpu.memref_slice %arg8[%mul3A_28, %dma_start3A_46] : memref<49152x128xf32, #tpu.memory_space<hbm>> -> memref<128x128xf32, #tpu.memory_space<hbm>>
        %dma_start3A_48 = arith.constant 0 : i32
        %dma_start3A_49 = tpu.memref_slice %arg8[%mul3A_28, %dma_start3A_48] : memref<49152x128xf32, #tpu.memory_space<hbm>> -> memref<128x128xf32, #tpu.memory_space<hbm>>
        tpu.enqueue_dma source(%arg14 : memref<128x128xf32, #tpu.memory_space<vmem>>) target(%dma_start3A_49 : memref<128x128xf32, #tpu.memory_space<hbm>>) target_semaphore(%run_scoped3A : memref<!tpu.dma_semaphore, #tpu.memory_space<semaphore_mem>>)
        %dma_wait3A_50 = arith.constant 0 : i32
        %dma_wait3A_51 = tpu.memref_slice %arg8[%mul3A_28, %dma_wait3A_50] : memref<49152x128xf32, #tpu.memory_space<hbm>> -> memref<128x128xf32, #tpu.memory_space<hbm>>
        %dma_wait3A_52 = arith.constant 0 : i32
        %dma_wait3A_53 = tpu.memref_slice %arg8[%mul3A_28, %dma_wait3A_52] : memref<49152x128xf32, #tpu.memory_space<hbm>> -> memref<128x128xf32, #tpu.memory_space<hbm>>
        tpu.wait_dma2 semaphore(%run_scoped3A : memref<!tpu.dma_semaphore, #tpu.memory_space<semaphore_mem>>) src(%arg14 : memref<128x128xf32, #tpu.memory_space<vmem>>) dst(%dma_wait3A_53 : memref<128x128xf32, #tpu.memory_space<hbm>>)
        tpu.yield
      }) : () -> ()
      %dma_wait3A_40 = arith.constant 0 : i32
      %dma_wait3A_41 = tpu.memref_slice %arg12[%scan3A_8, %dma_wait3A_40] : memref<12x128xi32, #tpu.memory_space<vmem>> -> memref<1x128xi32, #tpu.memory_space<vmem>>
      %dma_wait3A_42 = tpu.memref_squeeze %dma_wait3A_41 : memref<1x128xi32, #tpu.memory_space<vmem>> -> memref<128xi32, #tpu.memory_space<vmem>>
      %dma_wait3A_43 = arith.constant 0 : i32
      %dma_wait3A_44 = arith.constant 0 : i32
      %dma_wait3A_45 = tpu.memref_slice %arg3[%dma_wait3A_43, %dma_wait3A_44] : memref<1001x64xf32, #tpu.memory_space<hbm>> -> memref<1001x64xf32, #tpu.memory_space<hbm>>
      tpu.wait_indirect_dma semaphore(%arg18 : memref<!tpu.dma_semaphore, #tpu.memory_space<semaphore_mem>>) src(%dma_wait3A_45 : memref<1001x64xf32, #tpu.memory_space<hbm>>) dst(%arg15 : memref<128x64xf32, #tpu.memory_space<vmem>>)
      "tpu.region"() ({
        %run_scoped3A = tpu.sem_alloc : memref<!tpu.dma_semaphore, #tpu.memory_space<semaphore_mem>>
        %dma_start3A_46 = arith.constant 0 : i32
        %dma_start3A_47 = tpu.memref_slice %arg9[%mul3A_28, %dma_start3A_46] : memref<49152x64xf32, #tpu.memory_space<hbm>> -> memref<128x64xf32, #tpu.memory_space<hbm>>
        %dma_start3A_48 = arith.constant 0 : i32
        %dma_start3A_49 = tpu.memref_slice %arg9[%mul3A_28, %dma_start3A_48] : memref<49152x64xf32, #tpu.memory_space<hbm>> -> memref<128x64xf32, #tpu.memory_space<hbm>>
        tpu.enqueue_dma source(%arg15 : memref<128x64xf32, #tpu.memory_space<vmem>>) target(%dma_start3A_49 : memref<128x64xf32, #tpu.memory_space<hbm>>) target_semaphore(%run_scoped3A : memref<!tpu.dma_semaphore, #tpu.memory_space<semaphore_mem>>)
        %dma_wait3A_50 = arith.constant 0 : i32
        %dma_wait3A_51 = tpu.memref_slice %arg9[%mul3A_28, %dma_wait3A_50] : memref<49152x64xf32, #tpu.memory_space<hbm>> -> memref<128x64xf32, #tpu.memory_space<hbm>>
        %dma_wait3A_52 = arith.constant 0 : i32
        %dma_wait3A_53 = tpu.memref_slice %arg9[%mul3A_28, %dma_wait3A_52] : memref<49152x64xf32, #tpu.memory_space<hbm>> -> memref<128x64xf32, #tpu.memory_space<hbm>>
        tpu.wait_dma2 semaphore(%run_scoped3A : memref<!tpu.dma_semaphore, #tpu.memory_space<semaphore_mem>>) src(%arg15 : memref<128x64xf32, #tpu.memory_space<vmem>>) dst(%dma_wait3A_53 : memref<128x64xf32, #tpu.memory_space<hbm>>)
        tpu.yield
      }) : () -> ()
    }
    %scan3A_7 = arith.constant 12 : i32
    return
  }
}

module attributes {stable_mosaic.version = 14 : i64} {
  func.func @body(%arg0: i32, %arg1: memref<64x2048xf32, #tpu.memory_space<vmem>>, %arg2: memref<64x2048xf32, #tpu.memory_space<vmem>>, %arg3: memref<2048x128xf32, #tpu.memory_space<vmem>>) attributes {dimension_semantics = [#tpu.dimension_semantics<arbitrary>], iteration_bounds = array<i64: 245>, scalar_prefetch = 0 : i64, scratch_operands = 0 : i64, tpu.core_type = #tpu.core_type<tc>, window_params = [{transform_indices = @transform_0, window_bounds = array<i64: 64, 2048>}, {transform_indices = @transform_1, window_bounds = array<i64: 64, 2048>}, {transform_indices = @transform_2, window_bounds = array<i64: 2048, 128>}]} {
    %get3A = arith.constant 0 : index
    %get3A_0 = arith.constant 0 : index
    %get3A_1 = vector.load %arg1[%get3A, %get3A_0] : memref<64x2048xf32, #tpu.memory_space<vmem>>, vector<64x2048xf32>
    %transpose3A = tpu.transpose %get3A_1, [1, 0] : vector<64x2048xf32> -> vector<2048x64xf32>
    %get3A_2 = arith.constant 0 : index
    %get3A_3 = arith.constant 0 : index
    %get3A_4 = vector.load %arg2[%get3A_2, %get3A_3] : memref<64x2048xf32, #tpu.memory_space<vmem>>, vector<64x2048xf32>
    %transpose3A_5 = tpu.transpose %get3A_4, [1, 0] : vector<64x2048xf32> -> vector<2048x64xf32>
    %concatenate3A = tpu.concatenate %transpose3A, %transpose3A_5 in 1 : vector<2048x64xf32>, vector<2048x64xf32> -> vector<2048x128xf32>
    %swap3A = arith.constant 0 : index
    %swap3A_6 = arith.constant 0 : index
    %swap3A_7 = vector.load %arg3[%swap3A, %swap3A_6] : memref<2048x128xf32, #tpu.memory_space<vmem>>, vector<2048x128xf32>
    tpu.vector_store %arg3[%swap3A, %swap3A_6], %concatenate3A {strides = array<i32>} : memref<2048x128xf32, #tpu.memory_space<vmem>>, vector<2048x128xf32>,
    return
  }
  func.func @transform_0(%arg0: i32) -> (i32, i32) {
    %c0_i32 = arith.constant 0 : i32
    %c0_i32_0 = arith.constant 0 : i32
    return %c0_i32, %arg0 : i32, i32
  }
  func.func @transform_1(%arg0: i32) -> (i32, i32) {
    %add3A = arith.constant 245 : i32
    %add3A_0 = arith.addi %arg0, %add3A : i32
    %min3A = arith.constant 488 : i32
    %min3A_1 = arith.minsi %add3A_0, %min3A : i32
    %c0_i32 = arith.constant 0 : i32
    %c0_i32_2 = arith.constant 0 : i32
    return %c0_i32, %min3A_1 : i32, i32
  }
  func.func @transform_2(%arg0: i32) -> (i32, i32) {
    %c0_i32 = arith.constant 0 : i32
    %c0_i32_0 = arith.constant 0 : i32
    return %arg0, %c0_i32 : i32, i32
  }
}

module attributes {stable_mosaic.version = 14 : i64} {
  func.func @body(%arg0: i32, %arg1: memref<2048x128xf32, #tpu.memory_space<vmem>>, %arg2: memref<2048x128xf32, #tpu.memory_space<vmem>>, %arg3: memref<2048x128xf32, #tpu.memory_space<vmem>>, %arg4: memref<2048x128xf32, #tpu.memory_space<vmem>>, %arg5: memref<2048x128xf32, #tpu.memory_space<vmem>>, %arg6: memref<2048x128xf32, #tpu.memory_space<vmem>>, %arg7: memref<2048x64xf32, #tpu.memory_space<vmem>>, %arg8: memref<2048x64xf32, #tpu.memory_space<vmem>>, %arg9: memref<2048x64xf32, #tpu.memory_space<vmem>>, %arg10: memref<2048x3xi32, #tpu.memory_space<vmem>>, %arg11: memref<2048x3xi32, #tpu.memory_space<vmem>>, %arg12: memref<384x64xf32, #tpu.memory_space<vmem>>, %arg13: memref<192x64xf32, #tpu.memory_space<vmem>>, %arg14: memref<1x64xf32, #tpu.memory_space<vmem>>, %arg15: memref<2048x1xf32, #tpu.memory_space<vmem>>) attributes {dimension_semantics = [#tpu.dimension_semantics<arbitrary>], iteration_bounds = array<i64: 8>, scalar_prefetch = 0 : i64, scratch_operands = 0 : i64, tpu.core_type = #tpu.core_type<tc>, window_params = [{transform_indices = @transform_0, window_bounds = array<i64: 2048, 128>}, {transform_indices = @transform_1, window_bounds = array<i64: 2048, 128>}, {transform_indices = @transform_2, window_bounds = array<i64: 2048, 128>}, {transform_indices = @transform_3, window_bounds = array<i64: 2048, 128>}, {transform_indices = @transform_4, window_bounds = array<i64: 2048, 128>}, {transform_indices = @transform_5, window_bounds = array<i64: 2048, 128>}, {transform_indices = @transform_6, window_bounds = array<i64: 2048, 64>}, {transform_indices = @transform_7, window_bounds = array<i64: 2048, 64>}, {transform_indices = @transform_8, window_bounds = array<i64: 2048, 64>}, {transform_indices = @transform_9, window_bounds = array<i64: 2048, 3>}, {transform_indices = @transform_10, window_bounds = array<i64: 2048, 3>}, {pipeline_mode = #tpu.pipeline_mode<synchronous>, transform_indices = @transform_11, window_bounds = array<i64: 384, 64>}, {pipeline_mode = #tpu.pipeline_mode<synchronous>, transform_indices = @transform_12, window_bounds = array<i64: 192, 64>}, {pipeline_mode = #tpu.pipeline_mode<synchronous>, transform_indices = @transform_13, window_bounds = array<i64: 1, 64>}, {transform_indices = @transform_14, window_bounds = array<i64: 2048, 1>}]} {
    %iota3A = tpu.iota {dimensions = array<i32: 1>} : vector<2048x128xi32>
    %shift_right_arithmetic3A = arith.constant 6 : i32
    %shift_right_arithmetic3A_0 = vector.broadcast %shift_right_arithmetic3A : i32 to vector<2048x128xi32>
    %shift_right_arithmetic3A_1 = arith.shrsi %iota3A, %shift_right_arithmetic3A_0 : vector<2048x128xi32>
    %and3A = arith.constant 1 : i32
    %and3A_2 = vector.broadcast %and3A : i32 to vector<2048x128xi32>
    %and3A_3 = arith.andi %shift_right_arithmetic3A_1, %and3A_2 : vector<2048x128xi32>
    %get3A = arith.constant 0 : index
    %get3A_4 = arith.constant 0 : index
    %get3A_5 = vector.load %arg14[%get3A, %get3A_4] : memref<1x64xf32, #tpu.memory_space<vmem>>, vector<1x64xf32>
    %broadcast_in_dim3A = vector.shape_cast %get3A_5 : vector<1x64xf32> to vector<1x64xf32>
    %broadcast_in_dim3A_6 = vector.broadcast %broadcast_in_dim3A : vector<1x64xf32> to vector<2048x64xf32>
    %get3A_7 = arith.constant 0 : index
    %get3A_8 = arith.constant 0 : index
    %get3A_9 = vector.load %arg10[%get3A_7, %get3A_8] : memref<2048x3xi32, #tpu.memory_space<vmem>>, vector<2048x1xi32>
    %broadcast_in_dim3A_10 = vector.shape_cast %get3A_9 : vector<2048x1xi32> to vector<2048x1xi32>
    %broadcast_in_dim3A_11 = vector.broadcast %broadcast_in_dim3A_10 : vector<2048x1xi32> to vector<2048x128xi32>
    %eq3A = arith.cmpi eq, %broadcast_in_dim3A_11, %and3A_3 : vector<2048x128xi32>
    %convert_element_type3A = arith.extui %eq3A : vector<2048x128xi1> to vector<2048x128xi32>
    %convert_element_type3A_12 = arith.sitofp %convert_element_type3A : vector<2048x128xi32> to vector<2048x128xf32>
    %get3A_13 = arith.constant 0 : index
    %get3A_14 = arith.constant 0 : index
    %get3A_15 = vector.load %arg11[%get3A_13, %get3A_14] : memref<2048x3xi32, #tpu.memory_space<vmem>>, vector<2048x1xi32>
    %broadcast_in_dim3A_16 = vector.shape_cast %get3A_15 : vector<2048x1xi32> to vector<2048x1xi32>
    %broadcast_in_dim3A_17 = vector.broadcast %broadcast_in_dim3A_16 : vector<2048x1xi32> to vector<2048x128xi32>
    %eq3A_18 = arith.cmpi eq, %broadcast_in_dim3A_17, %and3A_3 : vector<2048x128xi32>
    %convert_element_type3A_19 = arith.extui %eq3A_18 : vector<2048x128xi1> to vector<2048x128xi32>
    %convert_element_type3A_20 = arith.sitofp %convert_element_type3A_19 : vector<2048x128xi32> to vector<2048x128xf32>
    %get3A_21 = arith.constant 0 : index
    %get3A_22 = arith.constant 0 : index
    %get3A_23 = vector.load %arg1[%get3A_21, %get3A_22] : memref<2048x128xf32, #tpu.memory_space<vmem>>, vector<2048x128xf32>
    %mul3A = arith.mulf %get3A_23, %convert_element_type3A_12 : vector<2048x128xf32>
    %get3A_24 = arith.constant 0 : index
    %get3A_25 = arith.constant 0 : index
    %get3A_26 = vector.load %arg4[%get3A_24, %get3A_25] : memref<2048x128xf32, #tpu.memory_space<vmem>>, vector<2048x128xf32>
    %mul3A_27 = arith.mulf %get3A_26, %convert_element_type3A_20 : vector<2048x128xf32>
    %sub3A = arith.subf %mul3A, %mul3A_27 : vector<2048x128xf32>
    %get3A_28 = arith.constant 0 : index
    %get3A_29 = arith.constant 0 : index
    %get3A_30 = vector.load %arg12[%get3A_28, %get3A_29] : memref<384x64xf32, #tpu.memory_space<vmem>>, vector<128x64xf32>
    %dot_general3A = arith.constant dense<0.000000e+00> : vector<2048x64xf32>
    %dot_general3A_31 = tpu.matmul %sub3A, %get3A_30, %dot_general3A {dimension_numbers = #tpu.dot_dimension_numbers<[1], [0], [0], [1], [0, 0, 1, 1], [], []>, transpose_lhs_hint = false} : vector<2048x128xf32>, vector<128x64xf32>, vector<2048x64xf32> -> vector<2048x64xf32>
    %add3A = arith.addf %broadcast_in_dim3A_6, %dot_general3A_31 : vector<2048x64xf32>
    %get3A_32 = arith.constant 0 : index
    %get3A_33 = arith.constant 0 : index
    %get3A_34 = vector.load %arg7[%get3A_32, %get3A_33] : memref<2048x64xf32, #tpu.memory_space<vmem>>, vector<2048x64xf32>
    %get3A_35 = arith.constant 0 : index
    %get3A_36 = arith.constant 0 : index
    %get3A_37 = vector.load %arg13[%get3A_35, %get3A_36] : memref<192x64xf32, #tpu.memory_space<vmem>>, vector<64x64xf32>
    %dot_general3A_38 = arith.constant dense<0.000000e+00> : vector<2048x64xf32>
    %dot_general3A_39 = tpu.matmul %get3A_34, %get3A_37, %dot_general3A_38 {dimension_numbers = #tpu.dot_dimension_numbers<[1], [0], [0], [1], [0, 0, 1, 1], [], []>, transpose_lhs_hint = false} : vector<2048x64xf32>, vector<64x64xf32>, vector<2048x64xf32> -> vector<2048x64xf32>
    %add3A_40 = arith.addf %add3A, %dot_general3A_39 : vector<2048x64xf32>
    %get3A_41 = arith.constant 0 : index
    %get3A_42 = arith.constant 1 : index
    %get3A_43 = vector.load %arg10[%get3A_41, %get3A_42] : memref<2048x3xi32, #tpu.memory_space<vmem>>, vector<2048x1xi32>
    %broadcast_in_dim3A_44 = vector.shape_cast %get3A_43 : vector<2048x1xi32> to vector<2048x1xi32>
    %broadcast_in_dim3A_45 = vector.broadcast %broadcast_in_dim3A_44 : vector<2048x1xi32> to vector<2048x128xi32>
    %eq3A_46 = arith.cmpi eq, %broadcast_in_dim3A_45, %and3A_3 : vector<2048x128xi32>
    %convert_element_type3A_47 = arith.extui %eq3A_46 : vector<2048x128xi1> to vector<2048x128xi32>
    %convert_element_type3A_48 = arith.sitofp %convert_element_type3A_47 : vector<2048x128xi32> to vector<2048x128xf32>
    %get3A_49 = arith.constant 0 : index
    %get3A_50 = arith.constant 1 : index
    %get3A_51 = vector.load %arg11[%get3A_49, %get3A_50] : memref<2048x3xi32, #tpu.memory_space<vmem>>, vector<2048x1xi32>
    %broadcast_in_dim3A_52 = vector.shape_cast %get3A_51 : vector<2048x1xi32> to vector<2048x1xi32>
    %broadcast_in_dim3A_53 = vector.broadcast %broadcast_in_dim3A_52 : vector<2048x1xi32> to vector<2048x128xi32>
    %eq3A_54 = arith.cmpi eq, %broadcast_in_dim3A_53, %and3A_3 : vector<2048x128xi32>
    %convert_element_type3A_55 = arith.extui %eq3A_54 : vector<2048x128xi1> to vector<2048x128xi32>
    %convert_element_type3A_56 = arith.sitofp %convert_element_type3A_55 : vector<2048x128xi32> to vector<2048x128xf32>
    %get3A_57 = arith.constant 0 : index
    %get3A_58 = arith.constant 0 : index
    %get3A_59 = vector.load %arg2[%get3A_57, %get3A_58] : memref<2048x128xf32, #tpu.memory_space<vmem>>, vector<2048x128xf32>
    %mul3A_60 = arith.mulf %get3A_59, %convert_element_type3A_48 : vector<2048x128xf32>
    %get3A_61 = arith.constant 0 : index
    %get3A_62 = arith.constant 0 : index
    %get3A_63 = vector.load %arg5[%get3A_61, %get3A_62] : memref<2048x128xf32, #tpu.memory_space<vmem>>, vector<2048x128xf32>
    %mul3A_64 = arith.mulf %get3A_63, %convert_element_type3A_56 : vector<2048x128xf32>
    %sub3A_65 = arith.subf %mul3A_60, %mul3A_64 : vector<2048x128xf32>
    %get3A_66 = arith.constant 128 : index
    %get3A_67 = arith.constant 0 : index
    %get3A_68 = vector.load %arg12[%get3A_66, %get3A_67] : memref<384x64xf32, #tpu.memory_space<vmem>>, vector<128x64xf32>
    %dot_general3A_69 = arith.constant dense<0.000000e+00> : vector<2048x64xf32>
    %dot_general3A_70 = tpu.matmul %sub3A_65, %get3A_68, %dot_general3A_69 {dimension_numbers = #tpu.dot_dimension_numbers<[1], [0], [0], [1], [0, 0, 1, 1], [], []>, transpose_lhs_hint = false} : vector<2048x128xf32>, vector<128x64xf32>, vector<2048x64xf32> -> vector<2048x64xf32>
    %add3A_71 = arith.addf %add3A_40, %dot_general3A_70 : vector<2048x64xf32>
    %get3A_72 = arith.constant 0 : index
    %get3A_73 = arith.constant 0 : index
    %get3A_74 = vector.load %arg8[%get3A_72, %get3A_73] : memref<2048x64xf32, #tpu.memory_space<vmem>>, vector<2048x64xf32>
    %get3A_75 = arith.constant 64 : index
    %get3A_76 = arith.constant 0 : index
    %get3A_77 = vector.load %arg13[%get3A_75, %get3A_76] : memref<192x64xf32, #tpu.memory_space<vmem>>, vector<64x64xf32>
    %dot_general3A_78 = arith.constant dense<0.000000e+00> : vector<2048x64xf32>
    %dot_general3A_79 = tpu.matmul %get3A_74, %get3A_77, %dot_general3A_78 {dimension_numbers = #tpu.dot_dimension_numbers<[1], [0], [0], [1], [0, 0, 1, 1], [], []>, transpose_lhs_hint = false} : vector<2048x64xf32>, vector<64x64xf32>, vector<2048x64xf32> -> vector<2048x64xf32>
    %add3A_80 = arith.addf %add3A_71, %dot_general3A_79 : vector<2048x64xf32>
    %get3A_81 = arith.constant 0 : index
    %get3A_82 = arith.constant 2 : index
    %get3A_83 = vector.load %arg10[%get3A_81, %get3A_82] : memref<2048x3xi32, #tpu.memory_space<vmem>>, vector<2048x1xi32>
    %broadcast_in_dim3A_84 = vector.shape_cast %get3A_83 : vector<2048x1xi32> to vector<2048x1xi32>
    %broadcast_in_dim3A_85 = vector.broadcast %broadcast_in_dim3A_84 : vector<2048x1xi32> to vector<2048x128xi32>
    %eq3A_86 = arith.cmpi eq, %broadcast_in_dim3A_85, %and3A_3 : vector<2048x128xi32>
    %convert_element_type3A_87 = arith.extui %eq3A_86 : vector<2048x128xi1> to vector<2048x128xi32>
    %convert_element_type3A_88 = arith.sitofp %convert_element_type3A_87 : vector<2048x128xi32> to vector<2048x128xf32>
    %get3A_89 = arith.constant 0 : index
    %get3A_90 = arith.constant 2 : index
    %get3A_91 = vector.load %arg11[%get3A_89, %get3A_90] : memref<2048x3xi32, #tpu.memory_space<vmem>>, vector<2048x1xi32>
    %broadcast_in_dim3A_92 = vector.shape_cast %get3A_91 : vector<2048x1xi32> to vector<2048x1xi32>
    %broadcast_in_dim3A_93 = vector.broadcast %broadcast_in_dim3A_92 : vector<2048x1xi32> to vector<2048x128xi32>
    %eq3A_94 = arith.cmpi eq, %broadcast_in_dim3A_93, %and3A_3 : vector<2048x128xi32>
    %convert_element_type3A_95 = arith.extui %eq3A_94 : vector<2048x128xi1> to vector<2048x128xi32>
    %convert_element_type3A_96 = arith.sitofp %convert_element_type3A_95 : vector<2048x128xi32> to vector<2048x128xf32>
    %get3A_97 = arith.constant 0 : index
    %get3A_98 = arith.constant 0 : index
    %get3A_99 = vector.load %arg3[%get3A_97, %get3A_98] : memref<2048x128xf32, #tpu.memory_space<vmem>>, vector<2048x128xf32>
    %mul3A_100 = arith.mulf %get3A_99, %convert_element_type3A_88 : vector<2048x128xf32>
    %get3A_101 = arith.constant 0 : index
    %get3A_102 = arith.constant 0 : index
    %get3A_103 = vector.load %arg6[%get3A_101, %get3A_102] : memref<2048x128xf32, #tpu.memory_space<vmem>>, vector<2048x128xf32>
    %mul3A_104 = arith.mulf %get3A_103, %convert_element_type3A_96 : vector<2048x128xf32>
    %sub3A_105 = arith.subf %mul3A_100, %mul3A_104 : vector<2048x128xf32>
    %get3A_106 = arith.constant 256 : index
    %get3A_107 = arith.constant 0 : index
    %get3A_108 = vector.load %arg12[%get3A_106, %get3A_107] : memref<384x64xf32, #tpu.memory_space<vmem>>, vector<128x64xf32>
    %dot_general3A_109 = arith.constant dense<0.000000e+00> : vector<2048x64xf32>
    %dot_general3A_110 = tpu.matmul %sub3A_105, %get3A_108, %dot_general3A_109 {dimension_numbers = #tpu.dot_dimension_numbers<[1], [0], [0], [1], [0, 0, 1, 1], [], []>, transpose_lhs_hint = false} : vector<2048x128xf32>, vector<128x64xf32>, vector<2048x64xf32> -> vector<2048x64xf32>
    %add3A_111 = arith.addf %add3A_80, %dot_general3A_110 : vector<2048x64xf32>
    %get3A_112 = arith.constant 0 : index
    %get3A_113 = arith.constant 0 : index
    %get3A_114 = vector.load %arg9[%get3A_112, %get3A_113] : memref<2048x64xf32, #tpu.memory_space<vmem>>, vector<2048x64xf32>
    %get3A_115 = arith.constant 128 : index
    %get3A_116 = arith.constant 0 : index
    %get3A_117 = vector.load %arg13[%get3A_115, %get3A_116] : memref<192x64xf32, #tpu.memory_space<vmem>>, vector<64x64xf32>
    %dot_general3A_118 = arith.constant dense<0.000000e+00> : vector<2048x64xf32>
    %dot_general3A_119 = tpu.matmul %get3A_114, %get3A_117, %dot_general3A_118 {dimension_numbers = #tpu.dot_dimension_numbers<[1], [0], [0], [1], [0, 0, 1, 1], [], []>, transpose_lhs_hint = false} : vector<2048x64xf32>, vector<64x64xf32>, vector<2048x64xf32> -> vector<2048x64xf32>
    %add3A_120 = arith.addf %add3A_111, %dot_general3A_119 : vector<2048x64xf32>
    %mul3A_121 = arith.mulf %add3A_120, %add3A_120 : vector<2048x64xf32>
    %reduce_sum3A = arith.constant dense<0.000000e+00> : vector<2048xf32>
    %reduce_sum3A_122 = vector.multi_reduction <add>, %mul3A_121, %reduce_sum3A [1] : vector<2048x64xf32> to vector<2048xf32>
    %broadcast_in_dim3A_123 = vector.shape_cast %reduce_sum3A_122 : vector<2048xf32> to vector<2048x1xf32>
    %swap3A = arith.constant 0 : index
    %swap3A_124 = arith.constant 0 : index
    %swap3A_125 = vector.load %arg15[%swap3A, %swap3A_124] : memref<2048x1xf32, #tpu.memory_space<vmem>>, vector<2048x1xf32>
    tpu.vector_store %arg15[%swap3A, %swap3A_124], %broadcast_in_dim3A_123 {strides = array<i32>} : memref<2048x1xf32, #tpu.memory_space<vmem>>, vector<2048x1xf32>,
    return
  }
  func.func @transform_0(%arg0: i32) -> (i32, i32) {
    %add3A = arith.constant 0 : i32
    %add3A_0 = arith.addi %add3A, %arg0 : i32
    %c0_i32 = arith.constant 0 : i32
    %c0_i32_1 = arith.constant 0 : i32
    return %add3A_0, %c0_i32 : i32, i32
  }
  func.func @transform_1(%arg0: i32) -> (i32, i32) {
    %add3A = arith.constant 8 : i32
    %add3A_0 = arith.addi %add3A, %arg0 : i32
    %c0_i32 = arith.constant 0 : i32
    %c0_i32_1 = arith.constant 0 : i32
    return %add3A_0, %c0_i32 : i32, i32
  }
  func.func @transform_2(%arg0: i32) -> (i32, i32) {
    %add3A = arith.constant 16 : i32
    %add3A_0 = arith.addi %add3A, %arg0 : i32
    %c0_i32 = arith.constant 0 : i32
    %c0_i32_1 = arith.constant 0 : i32
    return %add3A_0, %c0_i32 : i32, i32
  }
  func.func @transform_3(%arg0: i32) -> (i32, i32) {
    %add3A = arith.constant 0 : i32
    %add3A_0 = arith.addi %add3A, %arg0 : i32
    %c0_i32 = arith.constant 0 : i32
    %c0_i32_1 = arith.constant 0 : i32
    return %add3A_0, %c0_i32 : i32, i32
  }
  func.func @transform_4(%arg0: i32) -> (i32, i32) {
    %add3A = arith.constant 8 : i32
    %add3A_0 = arith.addi %add3A, %arg0 : i32
    %c0_i32 = arith.constant 0 : i32
    %c0_i32_1 = arith.constant 0 : i32
    return %add3A_0, %c0_i32 : i32, i32
  }
  func.func @transform_5(%arg0: i32) -> (i32, i32) {
    %add3A = arith.constant 16 : i32
    %add3A_0 = arith.addi %add3A, %arg0 : i32
    %c0_i32 = arith.constant 0 : i32
    %c0_i32_1 = arith.constant 0 : i32
    return %add3A_0, %c0_i32 : i32, i32
  }
  func.func @transform_6(%arg0: i32) -> (i32, i32) {
    %add3A = arith.constant 0 : i32
    %add3A_0 = arith.addi %add3A, %arg0 : i32
    %c0_i32 = arith.constant 0 : i32
    %c0_i32_1 = arith.constant 0 : i32
    return %add3A_0, %c0_i32 : i32, i32
  }
  func.func @transform_7(%arg0: i32) -> (i32, i32) {
    %add3A = arith.constant 8 : i32
    %add3A_0 = arith.addi %add3A, %arg0 : i32
    %c0_i32 = arith.constant 0 : i32
    %c0_i32_1 = arith.constant 0 : i32
    return %add3A_0, %c0_i32 : i32, i32
  }
  func.func @transform_8(%arg0: i32) -> (i32, i32) {
    %add3A = arith.constant 16 : i32
    %add3A_0 = arith.addi %add3A, %arg0 : i32
    %c0_i32 = arith.constant 0 : i32
    %c0_i32_1 = arith.constant 0 : i32
    return %add3A_0, %c0_i32 : i32, i32
  }
  func.func @transform_9(%arg0: i32) -> (i32, i32) {
    %c0_i32 = arith.constant 0 : i32
    %c0_i32_0 = arith.constant 0 : i32
    return %arg0, %c0_i32 : i32, i32
  }
  func.func @transform_10(%arg0: i32) -> (i32, i32) {
    %c0_i32 = arith.constant 0 : i32
    %c0_i32_0 = arith.constant 0 : i32
    return %arg0, %c0_i32 : i32, i32
  }
  func.func @transform_11(%arg0: i32) -> (i32, i32) {
    %c0_i32 = arith.constant 0 : i32
    %c0_i32_0 = arith.constant 0 : i32
    %c0_i32_1 = arith.constant 0 : i32
    return %c0_i32, %c0_i32_0 : i32, i32
  }
  func.func @transform_12(%arg0: i32) -> (i32, i32) {
    %c0_i32 = arith.constant 0 : i32
    %c0_i32_0 = arith.constant 0 : i32
    %c0_i32_1 = arith.constant 0 : i32
    return %c0_i32, %c0_i32_0 : i32, i32
  }
  func.func @transform_13(%arg0: i32) -> (i32, i32) {
    %c0_i32 = arith.constant 0 : i32
    %c0_i32_0 = arith.constant 0 : i32
    %c0_i32_1 = arith.constant 0 : i32
    return %c0_i32, %c0_i32_0 : i32, i32
  }
  func.func @transform_14(%arg0: i32) -> (i32, i32) {
    %c0_i32 = arith.constant 0 : i32
    %c0_i32_0 = arith.constant 0 : i32
    return %arg0, %c0_i32 : i32, i32
  }
}

</mosaic_0001>

<sc_bundles>
// kernel: kernel.5.cloned.1.call-start
scs
__scs_entry_jumppad:
0x0: {  	(pc) =	sbr.rel $0x88, $3  }
0x1: {  	(tag) =	ssettag $0x0;
	lr =	simm.s32 $0x1  }
0x2: {  	[smem:$0x3F9A] =	sst lr;
	_ =	strace $0xD0000000  }
0x3: {  	_ = 	snop  }
0x4: {  	_ = 	snop  }
0x5: {  	_ = 	snop  }
0x6: {  	_ = 	snop  }
0x7: {  	_ = 	snop  }
__scs_overlays_trampoline_lowered:
0x8: {  	[smem:$0x3FA9] =	sst s0  }
0x9: {  	[smem:$0x3FAA] =	sst s1  }
0xa: {  	[smem:$0x3FAB] =	sst s2  }
0xb: {  	[smem:$0x3FAC] =	sst s3  }
0xc: {  	[smem:$0x3FAD] =	sst s4  }
0xd: {  	[smem:$0x3FAE] =	sst s5  }
0xe: {  	[smem:$0x3FAF] =	sst s6  }
0xf: {  	[smem:$0x3FB0] =	sst s7  }
0x10: {  	[smem:$0x3FB1] =	sst s8  }
0x11: {  	[smem:$0x3FB2] =	sst s9;
	s0 =	simm.s32 @!p0 $0x0  }
0x12: {  	s1 =	sld [smem:$0x3F98];
	s0 =	simm.s32 @p0 $0x1  }
0x13: {  	[smem:$0x3FB3] =	sst s0;
	s0 =	simm.s32 @!p1 $0x0  }
0x14: {  	s2 =	sld [smem:$0x3F97];
	s0 =	simm.s32 @p1 $0x1  }
0x15: {  	[smem:$0x3FB4] =	sst s0;
	s0 =	simm.s32 @!p2 $0x0  }
0x16: {  	s3 =	sld [smem:$0x3FDB];
	s0 =	simm.s32 @p2 $0x1  }
0x17: {  	s4 =	simm.s32 $0x1BF5;
	[smem:$0x3FB6] =	sst s0  }
0x18: {  	s0 =	sld [smem:$0x3F99];
	_ =	swait.ge [sflag:s4], $0x0  }
0x19: {  	s7 =	sld [smem:$0x3F9A]  }
0x1a: {  	s8 =	sadd.s32 $0xFFFFE003, lr  }
0x1b: {  	s9 =	sadd.s32 $0xFFFFFEF7, lr;
	s5 =	simm.s32 $0xFFFFFFFF;
	p2 =	slt.u32 s8, $0xFFFFF086  }
0x1c: {  	p1 =	slt.u32 s9, $0xF7A;
	s5 =	simm.s32 @!p2 $0x0  }
0x1d: {  	s5 =	simm.s32 @p1 $0x1;
	p0 =	seq.s32 s7, s2  }
0x1e: {  	s7 =	smul.u32 @!p0 $0xF7A, s2;
	p2 =	seq.s32 @!p0 s5, $0x0  }
0x1f: {  	s9 =	smul.u32 $0xF7A, s1;
	s8 =	simm.s32 @!p0 $0x1BF5;
	p2 =	por !p2, p0  }
0x20: {  	[sflag:s8] =	ssyncset.s32 @!p0 $0xFFFFF086;
	s6 =	sadd.s32 @!p0 s3, s7;
	s7 =	simm.s32 @!p0 $0x108  }
0x21: {  	s3 =	sadd.s32 s3, s9;
	s6 =	sadd.s32 @!p0 $0x88, s6;
	s7 =	simm.s32 @p2 $0x1082  }
0x22: {  	[simem:s7], [sflag:s8] =	dma.local @!p0 [hbm:s6], $0xF7A  }
0x23: {  	s9 =	sor.u32 $0xD0000000, s2;
	s6 =	simm.s32 $0x108;
	_ =	swait.ge @!p0 [sflag:s8], $0x0  }
0x24: {  	s3 =	sadd.s32 $0x88, s3;
	s6 =	simm.s32 @!p1 $0x1082;
	[sflag:s4] =	ssyncset.s32 $0xFFFFF086  }
0x25: {  	[simem:s6], [sflag:s4] =	dma.local [hbm:s3], $0xF7A  }
0x26: {  	[smem:$0x3F9A] =	sst s1;
	(tag) =	ssettag s2;
	_ =	strace s9  }
0x27: {  	s1 =	sld [smem:$0x3FAA]  }
0x28: {  	s2 =	sld [smem:$0x3FAB]  }
0x29: {  	s4 =	sld [smem:$0x3FAD]  }
0x2a: {  	p0 =	seq.s32 s5, $0x0;
	s5 =	sld [smem:$0x3FAE]  }
0x2b: {  	s6 =	sld [smem:$0x3FAF]  }
0x2c: {  	s7 =	sld [smem:$0x3FB0]  }
0x2d: {  	s3 =	simm.s32 $0x108;
	s8 =	sld [smem:$0x3FB1]  }
0x2e: {  	s3 =	simm.s32 @!p0 $0x1082;
	s9 =	sld [smem:$0x3FB2]  }
0x2f: {  	lr =	sadd.s32 s0, s3;
	s0 =	sld [smem:$0x3FA9]  }
0x30: {  	s3 =	sld [smem:$0x3FAC]  }
0x31: {  	[smem:$0x3FB5] =	sst s10  }
0x32: {  	s10 =	sld [smem:$0x3FB3];
	_ =	sdelay $0x3  }
0x33: {  	p0 =	seq.s32 s10, $0x1;
	s10 =	sld [smem:$0x3FB5];
	_ =	sdelay $0x3  }
0x34: {  	[smem:$0x3FB5] =	sst s10  }
0x35: {  	s10 =	sld [smem:$0x3FB4];
	_ =	sdelay $0x3  }
0x36: {  	p1 =	seq.s32 s10, $0x1;
	s10 =	sld [smem:$0x3FB5];
	_ =	sdelay $0x3  }
0x37: {  	[smem:$0x3FB5] =	sst s10  }
0x38: {  	s10 =	sld [smem:$0x3FB6]  }
0x39: {  	_ = 	snop;
	(pc) =	sbr.ind lr, $3  }
0x3a: {  	_ = 	snop  }
0x3b: {  	_ = 	snop  }
0x3c: {  	p2 =	seq.s32 s10, $0x1;
	s10 =	sld [smem:$0x3FB5]  }
0x3d: {  	_ =	shalt  }
0x3e: {  	_ =	shalt  }
0x3f: {  	_ =	shalt  }
0x40: {  	_ =	shalt  }
0x41: {  	_ =	shalt  }
0x42: {  	_ =	shalt  }
0x43: {  	_ =	shalt  }
0x44: {  	_ =	shalt  }
0x45: {  	_ =	shalt  }
0x46: {  	_ =	shalt  }
0x47: {  	_ =	shalt  }
0x48: {  	_ =	shalt  }
0x49: {  	_ =	shalt  }
0x4a: {  	_ =	shalt  }
0x4b: {  	_ =	shalt  }
0x4c: {  	_ =	shalt  }
0x4d: {  	_ =	shalt  }
0x4e: {  	_ =	shalt  }
0x4f: {  	_ =	shalt  }
0x50: {  	_ =	shalt  }
0x51: {  	_ =	shalt  }
0x52: {  	_ =	shalt  }
0x53: {  	_ =	shalt  }
0x54: {  	_ =	shalt  }
0x55: {  	_ =	shalt  }
0x56: {  	_ =	shalt  }
0x57: {  	_ =	shalt  }
0x58: {  	_ =	shalt  }
0x59: {  	_ =	shalt  }
0x5a: {  	_ =	shalt  }
0x5b: {  	_ =	shalt  }
0x5c: {  	_ =	shalt  }
0x5d: {  	_ =	shalt  }
0x5e: {  	_ =	shalt  }
0x5f: {  	_ =	shalt  }
0x60: {  	_ =	shalt  }
0x61: {  	_ =	shalt  }
0x62: {  	_ =	shalt  }
0x63: {  	_ =	shalt  }
0x64: {  	_ =	shalt  }
0x65: {  	_ =	shalt  }
0x66: {  	_ =	shalt  }
0x67: {  	_ =	shalt  }
0x68: {  	_ =	shalt  }
0x69: {  	_ =	shalt  }
0x6a: {  	_ =	shalt  }
0x6b: {  	_ =	shalt  }
0x6c: {  	_ =	shalt  }
0x6d: {  	_ =	shalt  }
0x6e: {  	_ =	shalt  }
0x6f: {  	_ =	shalt  }
0x70: {  	_ =	shalt  }
0x71: {  	_ =	shalt  }
0x72: {  	_ =	shalt  }
0x73: {  	_ =	shalt  }
0x74: {  	_ =	shalt  }
0x75: {  	_ =	shalt  }
0x76: {  	_ =	shalt  }
0x77: {  	_ =	shalt  }
0x78: {  	_ =	shalt  }
0x79: {  	_ =	shalt  }
0x7a: {  	_ =	shalt  }
0x7b: {  	_ =	shalt  }
0x7c: {  	_ =	shalt  }
0x7d: {  	_ =	shalt  }
0x7e: {  	_ =	shalt  }
0x7f: {  	_ =	shalt  }
0x80: {  	_ =	shalt  }
0x81: {  	_ =	shalt  }
0x82: {  	_ =	shalt  }
0x83: {  	_ =	shalt  }
0x84: {  	_ =	shalt  }
0x85: {  	_ =	shalt  }
0x86: {  	_ =	shalt  }
0x87: {  	_ =	shalt  }
.Lfunc_end0:
.L_simem_size_0:
called_computation_lowered:
.L_overlay_start_0:
0x88: {  	s2 =	sld [smem:$0x3FD9]  }
0x89: {  	s3 =	sld [smem:$0x3FFE];
	_ =	sdelay $0x1  }
0x8a: {  	s1 =	srdreg.scid  }
0x8b: {  	s0 =	sand.u32 $0x1, s1  }
0x8c: {  	s16 =	sshll.u32 s0, $0xA;
	s2 =	sadd.s32 s3, s2  }
0x8d: {  	s2 =	sadd.s32 s2, s16  }
0x8e: {  	[smem:$0x3FC1] =	sst s2  }
0x8f: {  	_ = 	snop  }
0x90: {  	(tm) =	ssettm $0x1  }
0x91: {  	s17 =	sld [smem:$0x3FFB];
	_ =	sdelay $0x3  }
0x92: {  	_ =	strace s17  }
0x93: {  	s2 =	sld [smem:$0x3FFC];
	_ =	sdelay $0x3  }
0x94: {  	_ =	strace s2  }
0x95: {  	s2 =	sld [smem:$0x3FFD];
	_ =	sdelay $0x3  }
0x96: {  	_ =	strace s2  }
0x97: {  	_ =	strace $0x8FFFFFFF  }
0x98: {  	s18 =	sld [smem:$0x3FDB];
	_ =	sdelay $0x1  }
0x99: {  	s19 =	simm.s32 $_scs_section_size  }
0x9a: {  	s4 =	simm.s32 $_size__tile_overlayer_lowered;
	s5 =	simm.s32 $_tile_overlayer_lowered  }
0x9b: {  	s22 =	simm.s32 $0x1BFF;
	s21 =	sshll.u32 s5, $0x1;
	s2 =	sadd.s32 s19, s18  }
0x9c: {  	s6 =	simm.s32 $0x0;
	s20 =	sshll.u32 s4, $0x1;
	s4 =	sadd.s32 s21, s2  }
0x9d: {  	[timem:s6], [sflag:s22] =	dma.local [hbm:s4], s20  }
0x9e: {  	_ =	swait.ge [sflag:s22], s20  }
0x9f: {  	s3 =	ssub.s32 $0x0, s20;
	[sflag:s22] =	ssyncset.done $0x0  }
0xa0: {  	[sflag:s22] =	ssyncadd.s32 s3;
	_ =	sdelay $0x1  }
0xa1: {  	s23 =	simm.s32 $0x1B8B  }
0xa2: {  	_ =	swait.ge [sflag:s23], $0x1  }
0xa3: {  	[sflag:s23] =	ssyncset.done $0x0  }
0xa4: {  	s25 =	simm.s32 $0x1B8E;
	s24 =	sld [smem:$0x3FFE];
	[sflag:s23] =	ssyncadd.s32 $0xFFFFFFFF  }
0xa5: {  	s26 =	simm.s32 $execute0_lowered;
	[smem:$0x3FD2] =	sst s25  }
0xa6: {  	s4 =	sshll.u32 s26, $0x1;
	_ =	strace $0x80000046;
	[dreg:$0x1] =	wrdreg $0xFFFFFFFF  }
0xa7: {  	s28 =	simm.s32 $_size_execute0_lowered;
	s2 =	sadd.s32 s2, s4;
	[dreg:$0x0] =	wrdreg $0x0  }
0xa8: {  	s4 =	sshll.u32 s28, $0x1;
	[dreg:$0x2] =	wrdreg s2  }
0xa9: {  	[dreg:$0x3] =	wrdreg s4  }
0xaa: {  	[dreg:$0x4] =	wrdreg $0xC0  }
0xab: {  	_ =	task [dreg:s6], $0x5FFFF  }
0xac: {  	[dreg:$0x1] =	wrdreg $0xFFFFFFFF  }
0xad: {  	[dreg:$0x0] =	wrdreg $0x60  }
0xae: {  	[dreg:$0x2] =	wrdreg s24  }
0xaf: {  	[dreg:$0x3] =	wrdreg $0x9  }
0xb0: {  	_ =	task.clear_ibuf [dreg:s6], $0x4FFFF;
	_ =	strace $0x90000046  }
0xb1: {  	s29 =	simm.s32 $0x9;
	_ =	strace $0x80000048  }
0xb2: {  	_ =	swait.ge [sflag:s29], $0x1  }
0xb3: {  	[sflag:s29] =	ssyncadd.s32 $0xFFFFFFFF  }
0xb4: {  	_ =	strace $0x90000048  }
0xb5: {  	_ =	sfence  }
0xb6: {  	s30 =	sld [smem:$0x0];
	_ =	sdelay $0x2  }
0xb7: {  	s31 =	sshll.u32 s1, $0xD;
	s1 =	sshrl.u32 s1, $0x2  }
0xb8: {  	s3 =	sand.u32 $0x4000, s31;
	s1 =	sadd.s32 s1, s30  }
0xb9: {  	s0 =	sor.u32 s3, s0;
	s1 =	sshll.u32 s1, $0x11  }
0xba: {  	s0 =	sor.u32 s1, s0  }
0xbb: {  	s0 =	sadd.s32 $0x8F2B, s0  }
0xbc: {  	[sflag:s0] =	ssyncadd.remote.s32 $0x1  }
0xbd: {  	_ =	sfence.sel $0xFFFF  }
0xbe: {  	[dreg:$0x0] =	wrdreg $0xFFFFFFFF;
	(pc) =	sbr.abs _section_cstart, $3  }
0xbf: {  	[dreg:$0x1] =	wrdreg $0xFFFFFFFF  }
0xc0: {  	_ =	task.clear_ibuf [dreg:s6], $0x2FFFF;
	_ =	strace $0x9FFFFFFF  }
0xc1: {  	(tm) =	ssettm $0x7FFFFFFF  }
tec
execute0_lowered:
.L_overlay_start_1:
0x0: {  	(tag) =	ssettag $0x1  }
0x1: {  	s1 =	srdreg.scid  }
0x2: {  	s0 =	stileid.u32;
	s5 =	rddreg [dreg:$0x0];
	s2 =	simm.s32 $0x0  }
0x3: {  	s13 =	simm.s32 $0x600;
	s14 =	simm.s32 $0xC00;
	s15 =	simm.s32 $0x80  }
0x4: {  	s16 =	simm.s32 $0x1200;
	s17 =	simm.s32 $0x5200;
	s18 =	simm.s32 $0x9200  }
0x5: {  	s19 =	simm.s32 $0x1;
	s20 =	simm.s32 $0x2;
	s21 =	simm.s32 $0x3  }
0x6: {  	s6 =	sand.u32 $0x1, s1;
	s1 =	rddreg [dreg:$0x1];
	s8 =	smul.u32 $0xC000, s0  }
0x7: {  	s3 =	sshll.u32 s0, $0x1;
	[smem:$0x7FF] =	sst s2;
	s9 =	smul.u32 $0x6000, s0  }
0x8: {  	s4 =	sadd.s32 $0x7A9C00, s5;
	s3 =	sor.u32 s6, s3;
	s11 =	smul.u32 $0x3000, s6  }
0x9: {  	_ =	strace $0x80000047;
	s10 =	ssub.s32 $0x2, s6;
	s12 =	smul.u32 $0x6000, s6  }
0xa: {  	s7 =	smul.u32 $0xC0, s3;
	s3 =	sadd.s32 $0x1C00, s5;
	s30 =	sshrl.u32 s10, $0x1  }
0xb: {  	s8 =	sadd.s32 s8, s5;
	s9 =	sadd.s32 s9, s5;
	s10 =	ssub.s32 s10, s30  }
0xc: {  	s9 =	sadd.s32 s11, s9;
	s31 =	sadd.s32 s12, s8;
	s7 =	sadd.s32 s7, s5  }
0xd: {  	s8 =	smax.u32 s10, $0x1;
	s9 =	sadd.s32 $0x7B0400, s9;
	s10 =	sadd.s32 $0x8D0400, s31  }
0xe: {  	s22 =	simm.s32 $0x0;
	s11 =	sadd.s32 $0x810400, s31;
	s5 =	sadd.s32 $0x7ABC00, s7  }
0xf: {  	s12 =	simm.s32 $0x4;
	s6 =	sadd.s32 $0x7AD400, s7;
	s7 =	sadd.s32 $0x7AEC00, s7  }
.LBB2_1:
0x10: {  	[tilespmem:s2], [sflag:$0x4] =	stream.linear.gather [hbm4b:s5+s2], $0x600, $0x38;
	[tilespmem:$0xB200] =	vst v63  }
0x11: {  	_ =	swait.ge [sflag:s12], $0x600  }
0x12: {  	[sflag:s12] =	ssyncset.done $0x0  }
0x13: {  	[sflag:s12] =	ssyncadd.s32 $0xFFFFFA00  }
0x14: {  	[tilespmem:s13], [sflag:$0x4] =	stream.linear.gather [hbm4b:s6+s2], $0x600, $0x38;
	[tilespmem:$0xB200] =	vst v63  }
0x15: {  	_ =	swait.ge [sflag:s12], $0x600  }
0x16: {  	[sflag:s12] =	ssyncset.done $0x0  }
0x17: {  	[sflag:s12] =	ssyncadd.s32 $0xFFFFFA00  }
0x18: {  	[tilespmem:s14], [sflag:$0x4] =	stream.linear.gather [hbm4b:s7+s2], $0x600, $0x38;
	[tilespmem:$0xB200] =	vst v63  }
0x19: {  	_ =	swait.ge [sflag:s12], $0x600  }
0x1a: {  	[sflag:s12] =	ssyncset.done $0x0  }
0x1b: {  	s23 =	simm.s32 $0x0;
	[sflag:s12] =	ssyncadd.s32 $0xFFFFFA00  }
0x1c: {  	[tilespmem:s16], [sflag:$0x1] =	stream.indirect.gather [hbm4b:s3+s15], $0x80, s23, s15, $0xb8;
	[tilespmem:$0xB200] =	vst v63  }
0x1d: {  	s30 =	simm.s32 $0x600  }
0x1e: {  	[tilespmem:s17], [sflag:$0x2] =	stream.indirect.gather [hbm4b:s3+s15], $0x80, s30, s15, $0xb8;
	[tilespmem:$0xB200] =	vst v63  }
0x1f: {  	s31 =	simm.s32 $0xC00  }
0x20: {  	[tilespmem:s18], [sflag:$0x3] =	stream.indirect.gather [hbm4b:s4+s15], $0x40, s31, s15, $0xb8;
	[tilespmem:$0xB200] =	vst v63  }
0x21: {  	_ =	swait.ge [sflag:s19], $0x4000  }
0x22: {  	[sflag:s19] =	ssyncset.done $0x0  }
0x23: {  	[sflag:s19] =	ssyncadd.s32 $0xFFFFC000  }
0x24: {  	[hbm4b:s11+s2] =	stream.linear.scatter [tilespmem:s16], [sflag:$0x4], $0x4000, $0x38;
	[tilespmem:$0xB200] =	vst v63  }
0x25: {  	_ =	swait.ge [sflag:s12], $0x4000  }
0x26: {  	[sflag:s12] =	ssyncset.done $0x0  }
0x27: {  	[sflag:s12] =	ssyncadd.s32 $0xFFFFC000  }
0x28: {  	_ =	swait.ge [sflag:s20], $0x4000  }
0x29: {  	[sflag:s20] =	ssyncset.done $0x0  }
0x2a: {  	[sflag:s20] =	ssyncadd.s32 $0xFFFFC000  }
0x2b: {  	[hbm4b:s10+s2] =	stream.linear.scatter [tilespmem:s17], [sflag:$0x4], $0x4000, $0x38;
	[tilespmem:$0xB200] =	vst v63  }
0x2c: {  	_ =	swait.ge [sflag:s12], $0x4000  }
0x2d: {  	[sflag:s12] =	ssyncset.done $0x0  }
0x2e: {  	[sflag:s12] =	ssyncadd.s32 $0xFFFFC000  }
0x2f: {  	_ =	swait.ge [sflag:s21], $0x2000  }
0x30: {  	[sflag:s21] =	ssyncset.done $0x0  }
0x31: {  	s26 =	simm.s32 $0x200;
	[sflag:s21] =	ssyncadd.s32 $0xFFFFE000  }
0x32: {  	[hbm4b:s9+s2] =	stream.linear.scatter [tilespmem:s18], [sflag:$0x4], $0x2000, $0x38;
	[tilespmem:$0xB200] =	vst v63  }
0x33: {  	s28 =	simm.s32 $0x400;
	s25 =	sadd.s32 $0x800, s11;
	_ =	swait.ge [sflag:s12], $0x2000  }
0x34: {  	s24 =	sadd.s32 $0x800, s10;
	s23 =	sadd.s32 $0x400, s9;
	[sflag:s12] =	ssyncset.done $0x0  }
.LBB2_2:
0x35: {  	s29 =	sshra.s32 s26, $0x2  }
0x36: {  	[sflag:s12] =	ssyncadd.s32 $0xFFFFE000;
	s26 =	smov.u32 s28;
	s30 =	sadd.s32 $0x200, s28  }
0x37: {  	[tilespmem:s16], [sflag:$0x1] =	stream.indirect.gather [hbm4b:s3+s15], $0x80, s29, s15, $0xb8;
	[tilespmem:$0xB200] =	vst v63  }
0x38: {  	p0 =	sne.s32 s28, $0x1600;
	s28 =	sadd.s32 $0x600, s29  }
0x39: {  	[tilespmem:s17], [sflag:$0x2] =	stream.indirect.gather [hbm4b:s3+s15], $0x80, s28, s15, $0xb8;
	[tilespmem:$0xB200] =	vst v63  }
0x3a: {  	s28 =	sadd.s32 $0xC00, s29  }
0x3b: {  	[tilespmem:s18], [sflag:$0x3] =	stream.indirect.gather [hbm4b:s4+s15], $0x40, s28, s15, $0xb8;
	[tilespmem:$0xB200] =	vst v63  }
0x3c: {  	_ =	swait.ge [sflag:s19], $0x4000  }
0x3d: {  	[sflag:s19] =	ssyncset.done $0x0  }
0x3e: {  	[sflag:s19] =	ssyncadd.s32 $0xFFFFC000  }
0x3f: {  	[hbm4b:s25+s2] =	stream.linear.scatter [tilespmem:s16], [sflag:$0x4], $0x4000, $0x38;
	[tilespmem:$0xB200] =	vst v63  }
0x40: {  	_ =	swait.ge [sflag:s12], $0x4000  }
0x41: {  	[sflag:s12] =	ssyncset.done $0x0  }
0x42: {  	[sflag:s12] =	ssyncadd.s32 $0xFFFFC000  }
0x43: {  	_ =	swait.ge [sflag:s20], $0x4000  }
0x44: {  	[sflag:s20] =	ssyncset.done $0x0  }
0x45: {  	[sflag:s20] =	ssyncadd.s32 $0xFFFFC000  }
0x46: {  	[hbm4b:s24+s2] =	stream.linear.scatter [tilespmem:s17], [sflag:$0x4], $0x4000, $0x38;
	[tilespmem:$0xB200] =	vst v63  }
0x47: {  	_ =	swait.ge [sflag:s12], $0x4000  }
0x48: {  	[sflag:s12] =	ssyncset.done $0x0  }
0x49: {  	[sflag:s12] =	ssyncadd.s32 $0xFFFFC000  }
0x4a: {  	_ =	swait.ge [sflag:s21], $0x2000  }
.Ltmp0:
0x4b: {  	[sflag:s21] =	ssyncset.done $0x0;
	(pc) =	sbr.rel @p0 .LBB2_2-.Ltmp0, $4  }
0x4c: {  	[sflag:s21] =	ssyncadd.s32 $0xFFFFE000  }
0x4d: {  	[hbm4b:s23+s2] =	stream.linear.scatter [tilespmem:s18], [sflag:$0x4], $0x2000, $0x38;
	[tilespmem:$0xB200] =	vst v63  }
0x4e: {  	s28 =	smov.u32 s30;
	s25 =	sadd.s32 $0x800, s25;
	_ =	swait.ge [sflag:s12], $0x2000  }
0x4f: {  	s24 =	sadd.s32 $0x800, s24;
	s23 =	sadd.s32 $0x400, s23;
	[sflag:s12] =	ssyncset.done $0x0  }
0x50: {  	s26 =	sshra.s32 s26, $0x2;
	[sflag:s12] =	ssyncadd.s32 $0xFFFFE000  }
0x51: {  	[tilespmem:s16], [sflag:$0x1] =	stream.indirect.gather [hbm4b:s3+s15], $0x80, s26, s15, $0xb8;
	[tilespmem:$0xB200] =	vst v63  }
0x52: {  	s28 =	sadd.s32 $0x600, s26  }
0x53: {  	[tilespmem:s17], [sflag:$0x2] =	stream.indirect.gather [hbm4b:s3+s15], $0x80, s28, s15, $0xb8;
	[tilespmem:$0xB200] =	vst v63  }
0x54: {  	s26 =	sadd.s32 $0xC00, s26  }
0x55: {  	[tilespmem:s18], [sflag:$0x3] =	stream.indirect.gather [hbm4b:s4+s15], $0x40, s26, s15, $0xb8;
	[tilespmem:$0xB200] =	vst v63  }
0x56: {  	_ =	swait.ge [sflag:s19], $0x4000  }
0x57: {  	[sflag:s19] =	ssyncset.done $0x0  }
0x58: {  	[sflag:s19] =	ssyncadd.s32 $0xFFFFC000  }
0x59: {  	[hbm4b:s25+s2] =	stream.linear.scatter [tilespmem:s16], [sflag:$0x4], $0x4000, $0x38;
	[tilespmem:$0xB200] =	vst v63  }
0x5a: {  	_ =	swait.ge [sflag:s12], $0x4000  }
0x5b: {  	[sflag:s12] =	ssyncset.done $0x0  }
0x5c: {  	[sflag:s12] =	ssyncadd.s32 $0xFFFFC000  }
0x5d: {  	_ =	swait.ge [sflag:s20], $0x4000  }
0x5e: {  	[sflag:s20] =	ssyncset.done $0x0  }
0x5f: {  	[sflag:s20] =	ssyncadd.s32 $0xFFFFC000  }
0x60: {  	[hbm4b:s24+s2] =	stream.linear.scatter [tilespmem:s17], [sflag:$0x4], $0x4000, $0x38;
	[tilespmem:$0xB200] =	vst v63  }
0x61: {  	_ =	swait.ge [sflag:s12], $0x4000  }
0x62: {  	[sflag:s12] =	ssyncset.done $0x0  }
0x63: {  	[sflag:s12] =	ssyncadd.s32 $0xFFFFC000  }
0x64: {  	s22 =	sadd.s32 $0x1, s22;
	_ =	swait.ge [sflag:s21], $0x2000  }
0x65: {  	p0 =	sne.s32 s22, s8;
	[sflag:s21] =	ssyncset.done $0x0  }
.Ltmp1:
0x66: {  	[sflag:s21] =	ssyncadd.s32 $0xFFFFE000;
	(pc) =	sbr.rel @p0 .LBB2_1-.Ltmp1, $4  }
0x67: {  	[hbm4b:s23+s2] =	stream.linear.scatter [tilespmem:s18], [sflag:$0x4], $0x2000, $0x38;
	[tilespmem:$0xB200] =	vst v63  }
0x68: {  	_ =	swait.ge [sflag:s12], $0x2000  }
0x69: {  	[sflag:s12] =	ssyncset.done $0x0  }
0x6a: {  	[sflag:s12] =	ssyncadd.s32 $0xFFFFE000  }
0x6b: {  	_ =	sfence.sel $0x180000  }
0x6c: {  	[bflag:$0x0] =	sbarrier.arrive $0xFFFF  }
0x6d: {  	p0 =	sne.s32 s0, $0x0;
	_ =	strace $0x90000047  }
0x6e: {  	s0 =	sadd.s32 @!p0 $0x100000, s1;
	[bflag:$0x2] =	sbarrier.arrive $0xFFFF  }
0x6f: {  	[sflag:s0] =	ssyncadd.tile.s32 @!p0 $0x1;
	_ =	shalt  }
.Lfunc_end2:
_tile_overlayer_lowered:
.L_overlay_start_2:
0x70: {  	(tag) =	ssettag $0x2  }
0x71: {  	s0 =	rddreg [dreg:$0x0];
	s2 =	stileid.u32  }
0x72: {  	s1 =	rddreg [dreg:$0x1];
	p0 =	sne.s32 s2, $0x0  }
0x73: {  	s3 =	rddreg [dreg:$0x2];
	[bflag:$0x3] =	sbarrier.arrive $0xFFFF;
	s2 =	simm.s32 @!p0 $0x1C04  }
0x74: {  	[timem:s3], [sflag:s2] =	dma.local @!p0 [hbm:s0], s1  }
0x75: {  	s0 =	simm.s32 @!p0 $0x4  }
0x76: {  	_ =	swait.ge @!p0 [sflag:s0], s1  }
0x77: {  	s1 =	ssub.s32 @!p0 $0x0, s1;
	[sflag:s0] =	ssyncset.done @!p0 $0x0  }
0x78: {  	[sflag:s0] =	ssyncadd.s32 @!p0 s1  }
0x79: {  	[bflag:$0x3] =	sbarrier.arrive $0xFFFF  }
0x7a: {  	_ =	shalt  }

</sc_bundles>
